<compile_context>
chip_gen: v7x
topology: tpu7x:2x2x1
jax: 0.10.2.dev20260603
libtpu: 0.0.44.dev20260713+nightly
codegen_flags: <defaults>
</compile_context>

<pallas_src>
import numpy as np
import jax
import jax.numpy as jnp
from jax.experimental import pallas as pl
from jax.experimental.pallas import tpu as pltpu

_BATCH = 512
_IN = 128
_H = 32
_T = 32

_BT = 128
_TG = 8

_ADJ_LIST = [
    [0, 2, 5, 8, 11],
    [0, 1, 4, 7, 10],
    [0, 3, 6, 9, 12, 15],
    [9, 14, 17, 19, 21],
    [9, 13, 16, 18, 20],
]


def _build_a_norm() -> np.ndarray:
    num_nodes = max(max(s) for s in _ADJ_LIST) + 1
    a = np.zeros((num_nodes, num_nodes), dtype=np.float64)
    for sub in _ADJ_LIST:
        for i in range(len(sub)):
            for j in range(i + 1, len(sub)):
                a[sub[i], sub[j]] = 1.0
                a[sub[j], sub[i]] = 1.0
    deg = a.sum(axis=0)
    norm = 1.0 / np.sqrt(np.clip(deg, 1.0, None))
    return (norm[:, None] * a * norm[None, :]).astype(np.float32)


_A_NORM = _build_a_norm()
_N = _A_NORM.shape[0]
_NH = _N * _H


def _body(x_ref, wxt_ref, bxt_ref, k_ref, bgt_ref, out_ref, xg, h_ref):
    p = pl.program_id(1)

    @pl.when(p == 0)
    def _init():
        x_val = x_ref[...]
        for j in range(3):
            xg[j] = (
                jnp.dot(x_val, wxt_ref[j],
                        preferred_element_type=jnp.float32)
                + bxt_ref[j]
            )
        h_ref[...] = jnp.zeros((_BT, _NH), jnp.float32)

    k = k_ref[...]
    bgt = bgt_ref[...]

    h = h_ref[...]
    for i in range(_TG):
        g = jnp.dot(h, k, preferred_element_type=jnp.float32) + bgt
        r = jax.nn.sigmoid(xg[0] + g)
        z = jax.nn.sigmoid(xg[1] + g)
        h_tilde = jnp.tanh(xg[2] + r * g)
        h = h + z * (h_tilde - h)
        out_ref[:, i, :] = h
    h_ref[...] = h


def _prep_operands(x, Wr, br, Wz, bz, Wh, bh, Wg, bg):
    a = jnp.asarray(_A_NORM)
    k = (a[:, None, :, None] * Wg[None, :, None, :]).reshape(_NH, _NH)
    wxt = jnp.stack(
        [jnp.tile(Wr, (1, _N)), jnp.tile(Wz, (1, _N)), jnp.tile(Wh, (1, _N))]
    )
    bxt = jnp.stack(
        [jnp.tile(br, _N), jnp.tile(bz, _N), jnp.tile(bh, _N)]
    )[:, None, :]
    bgt = jnp.tile(bg, _N)[None, :]
    return x, wxt, bxt, k, bgt


def kernel(x, Wr, br, Wz, bz, Wh, bh, Wg, bg):
    operands = _prep_operands(x, Wr, br, Wz, bz, Wh, bh, Wg, bg)
    out = pl.pallas_call(
        _body,
        grid=(_BATCH // _BT, _T // _TG),
        in_specs=[
            pl.BlockSpec((_BT, _IN), lambda b, p: (b, 0)),
            pl.BlockSpec((3, _IN, _NH), lambda b, p: (0, 0, 0)),
            pl.BlockSpec((3, 1, _NH), lambda b, p: (0, 0, 0)),
            pl.BlockSpec((_NH, _NH), lambda b, p: (0, 0)),
            pl.BlockSpec((1, _NH), lambda b, p: (0, 0)),
        ],
        out_specs=pl.BlockSpec((_BT, _TG, _NH), lambda b, p: (b, p, 0)),
        out_shape=jax.ShapeDtypeStruct((_BATCH, _T, _NH), jnp.float32),
        scratch_shapes=[
            pltpu.VMEM((3, _BT, _NH), jnp.float32),
            pltpu.VMEM((_BT, _NH), jnp.float32),
        ],
        compiler_params=pltpu.CompilerParams(
            dimension_semantics=("parallel", "arbitrary"),
        ),
    )(*operands)
    return out.reshape(_BATCH, _T * _NH)

# --- scband reference (transcript-rebuilt; emitter-appended) ---
"""Pipeline reference for scband-graph-conv-gru-87608742904452 (READ-ONLY COPY).

The authoritative reference and input builder live on the scoring server;
editing this copy changes nothing except your own understanding.
"""

import jax, jax.numpy as jnp
import numpy as np

BATCH = 512
INPUT_SIZE = 128
HIDDEN = 32
NUM_LAYERS = 1
SEQ_LEN = 32


def _build_graph():
    adj_list = [[0, 2, 5, 8, 11], [0, 1, 4, 7, 10], [0, 3, 6, 9, 12, 15], [9, 14, 17, 19, 21], [9, 13, 16, 18, 20]]
    num_nodes = max(max(s) for s in adj_list) + 1
    A = np.zeros((num_nodes, num_nodes), dtype=np.int64)
    for sub in adj_list:
        for i in range(len(sub)):
            for j in range(i + 1, len(sub)):
                a, b = sub[i], sub[j]
                A[a, b] = 1
                A[b, a] = 1
    src, dst = np.nonzero(A)
    return src.astype(np.int64), dst.astype(np.int64), num_nodes

_SRC, _DST, _NUM_NODES = _build_graph()
_DEGS = np.bincount(_DST, minlength=_NUM_NODES).astype(np.float32)
_NORM = 1.0 / np.sqrt(np.clip(_DEGS, 1.0, None))


def setup_inputs(seed: int = 0) -> dict:
    key = jax.random.key(seed)
    ks = jax.random.split(key, 10)
    x = jax.random.normal(ks[0], (BATCH, INPUT_SIZE), dtype=jnp.float32)
    s_in = 1.0 / np.sqrt(INPUT_SIZE)
    s_h = 1.0 / np.sqrt(HIDDEN)
    Wr = jax.random.uniform(ks[1], (INPUT_SIZE, HIDDEN), minval=-s_in, maxval=s_in, dtype=jnp.float32)
    br = jax.random.uniform(ks[2], (HIDDEN,), minval=-s_in, maxval=s_in, dtype=jnp.float32)
    Wz = jax.random.uniform(ks[3], (INPUT_SIZE, HIDDEN), minval=-s_in, maxval=s_in, dtype=jnp.float32)
    bz = jax.random.uniform(ks[4], (HIDDEN,), minval=-s_in, maxval=s_in, dtype=jnp.float32)
    Wh = jax.random.uniform(ks[5], (INPUT_SIZE, HIDDEN), minval=-s_in, maxval=s_in, dtype=jnp.float32)
    bh = jax.random.uniform(ks[6], (HIDDEN,), minval=-s_in, maxval=s_in, dtype=jnp.float32)
    Wg = jax.random.uniform(ks[7], (HIDDEN, HIDDEN), minval=-s_h, maxval=s_h, dtype=jnp.float32)
    bg = jnp.zeros((HIDDEN,), dtype=jnp.float32)
    return {"x": x, "Wr": Wr, "br": br, "Wz": Wz, "bz": bz, "Wh": Wh, "bh": bh, "Wg": Wg, "bg": bg}


def _gcn(h, Wg, bg):
    # DGL GraphConv, norm='both': D^{-1/2} A D^{-1/2} h W + b
    norm = jnp.asarray(_NORM)
    feat = h * norm[None, :, None]
    agg = jnp.zeros_like(h).at[:, _DST, :].add(feat[:, _SRC, :])
    agg = agg * norm[None, :, None]
    return agg @ Wg + bg


def reference(x, Wr, br, Wz, bz, Wh, bh, Wg, bg):
    batch = x.shape[0]
    h = jnp.zeros((batch, _NUM_NODES, HIDDEN), dtype=jnp.float32)
    outputs = []
    for _ in range(SEQ_LEN):
        # single layer (num_layers=1) GraphConvGRUCell step
        x_r = (x @ Wr + br)[:, None, :]  # expand over nodes via broadcast
        r_t = jax.nn.sigmoid(x_r + _gcn(h, Wg, bg))
        x_z = (x @ Wz + bz)[:, None, :]
        z_t = jax.nn.sigmoid(x_z + _gcn(h, Wg, bg))
        x_h = (x @ Wh + bh)[:, None, :]
        h_tilde = jnp.tanh(x_h + r_t * _gcn(h, Wg, bg))
        h = (1.0 - z_t) * h + z_t * h_tilde
        outputs.append(h[:, None, :, :])
    out = jnp.concatenate(outputs, axis=1)  # (B, T, N, H)
    return out.reshape(batch, -1)

if __name__ == "__main__":
    import jax
    _d = setup_inputs()
    print(jax.jit(kernel)(*tuple(_d.values())))

</pallas_src>

<mosaic_0001>
module attributes {stable_mosaic.version = 14 : i64} {
  func.func @_body(%arg0: i32, %arg1: i32, %arg2: memref<128x128xf32, #tpu.memory_space<vmem>>, %arg3: memref<3x128x704xf32, #tpu.memory_space<vmem>>, %arg4: memref<3x1x704xf32, #tpu.memory_space<vmem>>, %arg5: memref<704x704xf32, #tpu.memory_space<vmem>>, %arg6: memref<1x704xf32, #tpu.memory_space<vmem>>, %arg7: memref<128x8x704xf32, #tpu.memory_space<vmem>>, %arg8: memref<3x128x704xf32, #tpu.memory_space<vmem>>, %arg9: memref<128x704xf32, #tpu.memory_space<vmem>>) attributes {dimension_semantics = [#tpu.dimension_semantics<parallel>, #tpu.dimension_semantics<arbitrary>], iteration_bounds = array<i64: 4, 4>, scalar_prefetch = 0 : i64, scratch_operands = 2 : i64, tpu.core_type = #tpu.core_type<tc>, window_params = [{transform_indices = @transform_0, window_bounds = array<i64: 128, 128>}, {pipeline_mode = #tpu.pipeline_mode<synchronous>, transform_indices = @transform_1, window_bounds = array<i64: 3, 128, 704>}, {pipeline_mode = #tpu.pipeline_mode<synchronous>, transform_indices = @transform_2, window_bounds = array<i64: 3, 1, 704>}, {pipeline_mode = #tpu.pipeline_mode<synchronous>, transform_indices = @transform_3, window_bounds = array<i64: 704, 704>}, {pipeline_mode = #tpu.pipeline_mode<synchronous>, transform_indices = @transform_4, window_bounds = array<i64: 1, 704>}, {transform_indices = @transform_5, window_bounds = array<i64: 128, 8, 704>}]} {
    %eq3A = arith.constant 0 : i32
    %eq3A_0 = arith.cmpi eq, %arg1, %eq3A : i32
    %convert_element_type3A = arith.extui %eq3A_0 : i1 to i32
    %cond3A = arith.constant 0 : i32
    %cond3A_1 = arith.cmpi ne, %convert_element_type3A, %cond3A : i32
    scf.if %cond3A_1 {
      %get3A_366 = arith.constant 0 : index
      %get3A_367 = arith.constant 0 : index
      %get3A_368 = vector.load %arg2[%get3A_366, %get3A_367] : memref<128x128xf32, #tpu.memory_space<vmem>>, vector<128x128xf32>
      %get3A_369 = arith.constant 0 : index
      %get3A_370 = arith.constant 0 : index
      %get3A_371 = arith.constant 0 : index
      %get3A_372 = vector.load %arg3[%get3A_369, %get3A_370, %get3A_371] : memref<3x128x704xf32, #tpu.memory_space<vmem>>, vector<1x128x704xf32>
      %get3A_373 = vector.shape_cast %get3A_372 : vector<1x128x704xf32> to vector<128x704xf32>
      %dot_general3A_374 = arith.constant dense<0.000000e+00> : vector<128x704xf32>
      %dot_general3A_375 = tpu.matmul %get3A_368, %get3A_373, %dot_general3A_374 {dimension_numbers = #tpu.dot_dimension_numbers<[1], [0], [0], [1], [0, 0, 1, 1], [], []>, transpose_lhs_hint = false} : vector<128x128xf32>, vector<128x704xf32>, vector<128x704xf32> -> vector<128x704xf32>
      %get3A_376 = arith.constant 0 : index
      %get3A_377 = arith.constant 0 : index
      %get3A_378 = arith.constant 0 : index
      %get3A_379 = vector.load %arg4[%get3A_376, %get3A_377, %get3A_378] : memref<3x1x704xf32, #tpu.memory_space<vmem>>, vector<1x1x704xf32>
      %get3A_380 = vector.shape_cast %get3A_379 : vector<1x1x704xf32> to vector<1x704xf32>
      %add3A_381 = vector.broadcast %get3A_380 : vector<1x704xf32> to vector<128x704xf32>
      %add3A_382 = arith.addf %dot_general3A_375, %add3A_381 : vector<128x704xf32>
      %swap3A_383 = arith.constant 0 : index
      %swap3A_384 = arith.constant 0 : index
      %swap3A_385 = arith.constant 0 : index
      %swap3A_386 = vector.load %arg8[%swap3A_383, %swap3A_384, %swap3A_385] : memref<3x128x704xf32, #tpu.memory_space<vmem>>, vector<1x128x704xf32>
      %swap3A_387 = vector.shape_cast %swap3A_386 : vector<1x128x704xf32> to vector<128x704xf32>
      %swap3A_388 = vector.shape_cast %add3A_382 : vector<128x704xf32> to vector<1x128x704xf32>
      tpu.vector_store %arg8[%swap3A_383, %swap3A_384, %swap3A_385], %swap3A_388 {strides = array<i32>} : memref<3x128x704xf32, #tpu.memory_space<vmem>>, vector<1x128x704xf32>,
      %get3A_389 = arith.constant 1 : index
      %get3A_390 = arith.constant 0 : index
      %get3A_391 = arith.constant 0 : index
      %get3A_392 = vector.load %arg3[%get3A_389, %get3A_390, %get3A_391] : memref<3x128x704xf32, #tpu.memory_space<vmem>>, vector<1x128x704xf32>
      %get3A_393 = vector.shape_cast %get3A_392 : vector<1x128x704xf32> to vector<128x704xf32>
      %dot_general3A_394 = arith.constant dense<0.000000e+00> : vector<128x704xf32>
      %dot_general3A_395 = tpu.matmul %get3A_368, %get3A_393, %dot_general3A_394 {dimension_numbers = #tpu.dot_dimension_numbers<[1], [0], [0], [1], [0, 0, 1, 1], [], []>, transpose_lhs_hint = false} : vector<128x128xf32>, vector<128x704xf32>, vector<128x704xf32> -> vector<128x704xf32>
      %get3A_396 = arith.constant 1 : index
      %get3A_397 = arith.constant 0 : index
      %get3A_398 = arith.constant 0 : index
      %get3A_399 = vector.load %arg4[%get3A_396, %get3A_397, %get3A_398] : memref<3x1x704xf32, #tpu.memory_space<vmem>>, vector<1x1x704xf32>
      %get3A_400 = vector.shape_cast %get3A_399 : vector<1x1x704xf32> to vector<1x704xf32>
      %add3A_401 = vector.broadcast %get3A_400 : vector<1x704xf32> to vector<128x704xf32>
      %add3A_402 = arith.addf %dot_general3A_395, %add3A_401 : vector<128x704xf32>
      %swap3A_403 = arith.constant 1 : index
      %swap3A_404 = arith.constant 0 : index
      %swap3A_405 = arith.constant 0 : index
      %swap3A_406 = vector.load %arg8[%swap3A_403, %swap3A_404, %swap3A_405] : memref<3x128x704xf32, #tpu.memory_space<vmem>>, vector<1x128x704xf32>
      %swap3A_407 = vector.shape_cast %swap3A_406 : vector<1x128x704xf32> to vector<128x704xf32>
      %swap3A_408 = vector.shape_cast %add3A_402 : vector<128x704xf32> to vector<1x128x704xf32>
      tpu.vector_store %arg8[%swap3A_403, %swap3A_404, %swap3A_405], %swap3A_408 {strides = array<i32>} : memref<3x128x704xf32, #tpu.memory_space<vmem>>, vector<1x128x704xf32>,
      %get3A_409 = arith.constant 2 : index
      %get3A_410 = arith.constant 0 : index
      %get3A_411 = arith.constant 0 : index
      %get3A_412 = vector.load %arg3[%get3A_409, %get3A_410, %get3A_411] : memref<3x128x704xf32, #tpu.memory_space<vmem>>, vector<1x128x704xf32>
      %get3A_413 = vector.shape_cast %get3A_412 : vector<1x128x704xf32> to vector<128x704xf32>
      %dot_general3A_414 = arith.constant dense<0.000000e+00> : vector<128x704xf32>
      %dot_general3A_415 = tpu.matmul %get3A_368, %get3A_413, %dot_general3A_414 {dimension_numbers = #tpu.dot_dimension_numbers<[1], [0], [0], [1], [0, 0, 1, 1], [], []>, transpose_lhs_hint = false} : vector<128x128xf32>, vector<128x704xf32>, vector<128x704xf32> -> vector<128x704xf32>
      %get3A_416 = arith.constant 2 : index
      %get3A_417 = arith.constant 0 : index
      %get3A_418 = arith.constant 0 : index
      %get3A_419 = vector.load %arg4[%get3A_416, %get3A_417, %get3A_418] : memref<3x1x704xf32, #tpu.memory_space<vmem>>, vector<1x1x704xf32>
      %get3A_420 = vector.shape_cast %get3A_419 : vector<1x1x704xf32> to vector<1x704xf32>
      %add3A_421 = vector.broadcast %get3A_420 : vector<1x704xf32> to vector<128x704xf32>
      %add3A_422 = arith.addf %dot_general3A_415, %add3A_421 : vector<128x704xf32>
      %swap3A_423 = arith.constant 2 : index
      %swap3A_424 = arith.constant 0 : index
      %swap3A_425 = arith.constant 0 : index
      %swap3A_426 = vector.load %arg8[%swap3A_423, %swap3A_424, %swap3A_425] : memref<3x128x704xf32, #tpu.memory_space<vmem>>, vector<1x128x704xf32>
      %swap3A_427 = vector.shape_cast %swap3A_426 : vector<1x128x704xf32> to vector<128x704xf32>
      %swap3A_428 = vector.shape_cast %add3A_422 : vector<128x704xf32> to vector<1x128x704xf32>
      tpu.vector_store %arg8[%swap3A_423, %swap3A_424, %swap3A_425], %swap3A_428 {strides = array<i32>} : memref<3x128x704xf32, #tpu.memory_space<vmem>>, vector<1x128x704xf32>,
      %broadcast_in_dim3A = arith.constant 0.000000e+00 : f32
      %broadcast_in_dim3A_429 = vector.broadcast %broadcast_in_dim3A : f32 to vector<128x704xf32>
      %swap3A_430 = arith.constant 0 : index
      %swap3A_431 = arith.constant 0 : index
      %swap3A_432 = vector.load %arg9[%swap3A_430, %swap3A_431] : memref<128x704xf32, #tpu.memory_space<vmem>>, vector<128x704xf32>
      tpu.vector_store %arg9[%swap3A_430, %swap3A_431], %broadcast_in_dim3A_429 {strides = array<i32>} : memref<128x704xf32, #tpu.memory_space<vmem>>, vector<128x704xf32>,
    } else {
    }
    %get3A = arith.constant 0 : index
    %get3A_2 = arith.constant 0 : index
    %get3A_3 = vector.load %arg5[%get3A, %get3A_2] : memref<704x704xf32, #tpu.memory_space<vmem>>, vector<704x704xf32>
    %get3A_4 = arith.constant 0 : index
    %get3A_5 = arith.constant 0 : index
    %get3A_6 = vector.load %arg6[%get3A_4, %get3A_5] : memref<1x704xf32, #tpu.memory_space<vmem>>, vector<1x704xf32>
    %get3A_7 = arith.constant 0 : index
    %get3A_8 = arith.constant 0 : index
    %get3A_9 = vector.load %arg9[%get3A_7, %get3A_8] : memref<128x704xf32, #tpu.memory_space<vmem>>, vector<128x704xf32>
    %dot_general3A = arith.constant dense<0.000000e+00> : vector<128x704xf32>
    %dot_general3A_10 = tpu.matmul %get3A_9, %get3A_3, %dot_general3A {dimension_numbers = #tpu.dot_dimension_numbers<[1], [0], [0], [1], [0, 0, 1, 1], [], []>, transpose_lhs_hint = false} : vector<128x704xf32>, vector<704x704xf32>, vector<128x704xf32> -> vector<128x704xf32>
    %add3A = vector.broadcast %get3A_6 : vector<1x704xf32> to vector<128x704xf32>
    %add3A_11 = arith.addf %dot_general3A_10, %add3A : vector<128x704xf32>
    %get3A_12 = arith.constant 0 : index
    %get3A_13 = arith.constant 0 : index
    %get3A_14 = arith.constant 0 : index
    %get3A_15 = vector.load %arg8[%get3A_12, %get3A_13, %get3A_14] : memref<3x128x704xf32, #tpu.memory_space<vmem>>, vector<1x128x704xf32>
    %get3A_16 = vector.shape_cast %get3A_15 : vector<1x128x704xf32> to vector<128x704xf32>
    %add3A_17 = arith.addf %get3A_16, %add3A_11 : vector<128x704xf32>
    %logistic3A = arith.negf %add3A_17 : vector<128x704xf32>
    %logistic3A_18 = math.exp %logistic3A : vector<128x704xf32>
    %logistic3A_19 = arith.constant 1.000000e+00 : f32
    %logistic3A_20 = vector.broadcast %logistic3A_19 : f32 to vector<128x704xf32>
    %logistic3A_21 = arith.addf %logistic3A_20, %logistic3A_18 : vector<128x704xf32>
    %logistic3A_22 = arith.divf %logistic3A_20, %logistic3A_21 : vector<128x704xf32>
    %get3A_23 = arith.constant 1 : index
    %get3A_24 = arith.constant 0 : index
    %get3A_25 = arith.constant 0 : index
    %get3A_26 = vector.load %arg8[%get3A_23, %get3A_24, %get3A_25] : memref<3x128x704xf32, #tpu.memory_space<vmem>>, vector<1x128x704xf32>
    %get3A_27 = vector.shape_cast %get3A_26 : vector<1x128x704xf32> to vector<128x704xf32>
    %add3A_28 = arith.addf %get3A_27, %add3A_11 : vector<128x704xf32>
    %logistic3A_29 = arith.negf %add3A_28 : vector<128x704xf32>
    %logistic3A_30 = math.exp %logistic3A_29 : vector<128x704xf32>
    %logistic3A_31 = arith.constant 1.000000e+00 : f32
    %logistic3A_32 = vector.broadcast %logistic3A_31 : f32 to vector<128x704xf32>
    %logistic3A_33 = arith.addf %logistic3A_32, %logistic3A_30 : vector<128x704xf32>
    %logistic3A_34 = arith.divf %logistic3A_32, %logistic3A_33 : vector<128x704xf32>
    %get3A_35 = arith.constant 2 : index
    %get3A_36 = arith.constant 0 : index
    %get3A_37 = arith.constant 0 : index
    %get3A_38 = vector.load %arg8[%get3A_35, %get3A_36, %get3A_37] : memref<3x128x704xf32, #tpu.memory_space<vmem>>, vector<1x128x704xf32>
    %get3A_39 = vector.shape_cast %get3A_38 : vector<1x128x704xf32> to vector<128x704xf32>
    %mul3A = arith.mulf %logistic3A_22, %add3A_11 : vector<128x704xf32>
    %add3A_40 = arith.addf %get3A_39, %mul3A : vector<128x704xf32>
    %tanh3A = math.tanh %add3A_40 : vector<128x704xf32>
    %sub3A = arith.subf %tanh3A, %get3A_9 : vector<128x704xf32>
    %mul3A_41 = arith.mulf %logistic3A_34, %sub3A : vector<128x704xf32>
    %add3A_42 = arith.addf %get3A_9, %mul3A_41 : vector<128x704xf32>
    %swap3A = arith.constant 0 : index
    %swap3A_43 = arith.constant 0 : index
    %swap3A_44 = arith.constant 0 : index
    %swap3A_45 = vector.load %arg7[%swap3A, %swap3A_43, %swap3A_44] : memref<128x8x704xf32, #tpu.memory_space<vmem>>, vector<128x1x704xf32>
    %swap3A_46 = vector.shape_cast %swap3A_45 : vector<128x1x704xf32> to vector<128x704xf32>
    %swap3A_47 = vector.shape_cast %add3A_42 : vector<128x704xf32> to vector<128x1x704xf32>
    tpu.vector_store %arg7[%swap3A, %swap3A_43, %swap3A_44], %swap3A_47 {strides = array<i32>} : memref<128x8x704xf32, #tpu.memory_space<vmem>>, vector<128x1x704xf32>,
    %dot_general3A_48 = arith.constant dense<0.000000e+00> : vector<128x704xf32>
    %dot_general3A_49 = tpu.matmul %add3A_42, %get3A_3, %dot_general3A_48 {dimension_numbers = #tpu.dot_dimension_numbers<[1], [0], [0], [1], [0, 0, 1, 1], [], []>, transpose_lhs_hint = false} : vector<128x704xf32>, vector<704x704xf32>, vector<128x704xf32> -> vector<128x704xf32>
    %add3A_50 = vector.broadcast %get3A_6 : vector<1x704xf32> to vector<128x704xf32>
    %add3A_51 = arith.addf %dot_general3A_49, %add3A_50 : vector<128x704xf32>
    %get3A_52 = arith.constant 0 : index
    %get3A_53 = arith.constant 0 : index
    %get3A_54 = arith.constant 0 : index
    %get3A_55 = vector.load %arg8[%get3A_52, %get3A_53, %get3A_54] : memref<3x128x704xf32, #tpu.memory_space<vmem>>, vector<1x128x704xf32>
    %get3A_56 = vector.shape_cast %get3A_55 : vector<1x128x704xf32> to vector<128x704xf32>
    %add3A_57 = arith.addf %get3A_56, %add3A_51 : vector<128x704xf32>
    %logistic3A_58 = arith.negf %add3A_57 : vector<128x704xf32>
    %logistic3A_59 = math.exp %logistic3A_58 : vector<128x704xf32>
    %logistic3A_60 = arith.constant 1.000000e+00 : f32
    %logistic3A_61 = vector.broadcast %logistic3A_60 : f32 to vector<128x704xf32>
    %logistic3A_62 = arith.addf %logistic3A_61, %logistic3A_59 : vector<128x704xf32>
    %logistic3A_63 = arith.divf %logistic3A_61, %logistic3A_62 : vector<128x704xf32>
    %get3A_64 = arith.constant 1 : index
    %get3A_65 = arith.constant 0 : index
    %get3A_66 = arith.constant 0 : index
    %get3A_67 = vector.load %arg8[%get3A_64, %get3A_65, %get3A_66] : memref<3x128x704xf32, #tpu.memory_space<vmem>>, vector<1x128x704xf32>
    %get3A_68 = vector.shape_cast %get3A_67 : vector<1x128x704xf32> to vector<128x704xf32>
    %add3A_69 = arith.addf %get3A_68, %add3A_51 : vector<128x704xf32>
    %logistic3A_70 = arith.negf %add3A_69 : vector<128x704xf32>
    %logistic3A_71 = math.exp %logistic3A_70 : vector<128x704xf32>
    %logistic3A_72 = arith.constant 1.000000e+00 : f32
    %logistic3A_73 = vector.broadcast %logistic3A_72 : f32 to vector<128x704xf32>
    %logistic3A_74 = arith.addf %logistic3A_73, %logistic3A_71 : vector<128x704xf32>
    %logistic3A_75 = arith.divf %logistic3A_73, %logistic3A_74 : vector<128x704xf32>
    %get3A_76 = arith.constant 2 : index
    %get3A_77 = arith.constant 0 : index
    %get3A_78 = arith.constant 0 : index
    %get3A_79 = vector.load %arg8[%get3A_76, %get3A_77, %get3A_78] : memref<3x128x704xf32, #tpu.memory_space<vmem>>, vector<1x128x704xf32>
    %get3A_80 = vector.shape_cast %get3A_79 : vector<1x128x704xf32> to vector<128x704xf32>
    %mul3A_81 = arith.mulf %logistic3A_63, %add3A_51 : vector<128x704xf32>
    %add3A_82 = arith.addf %get3A_80, %mul3A_81 : vector<128x704xf32>
    %tanh3A_83 = math.tanh %add3A_82 : vector<128x704xf32>
    %sub3A_84 = arith.subf %tanh3A_83, %add3A_42 : vector<128x704xf32>
    %mul3A_85 = arith.mulf %logistic3A_75, %sub3A_84 : vector<128x704xf32>
    %add3A_86 = arith.addf %add3A_42, %mul3A_85 : vector<128x704xf32>
    %swap3A_87 = arith.constant 0 : index
    %swap3A_88 = arith.constant 1 : index
    %swap3A_89 = arith.constant 0 : index
    %swap3A_90 = vector.load %arg7[%swap3A_87, %swap3A_88, %swap3A_89] : memref<128x8x704xf32, #tpu.memory_space<vmem>>, vector<128x1x704xf32>
    %swap3A_91 = vector.shape_cast %swap3A_90 : vector<128x1x704xf32> to vector<128x704xf32>
    %swap3A_92 = vector.shape_cast %add3A_86 : vector<128x704xf32> to vector<128x1x704xf32>
    tpu.vector_store %arg7[%swap3A_87, %swap3A_88, %swap3A_89], %swap3A_92 {strides = array<i32>} : memref<128x8x704xf32, #tpu.memory_space<vmem>>, vector<128x1x704xf32>,
    %dot_general3A_93 = arith.constant dense<0.000000e+00> : vector<128x704xf32>
    %dot_general3A_94 = tpu.matmul %add3A_86, %get3A_3, %dot_general3A_93 {dimension_numbers = #tpu.dot_dimension_numbers<[1], [0], [0], [1], [0, 0, 1, 1], [], []>, transpose_lhs_hint = false} : vector<128x704xf32>, vector<704x704xf32>, vector<128x704xf32> -> vector<128x704xf32>
    %add3A_95 = vector.broadcast %get3A_6 : vector<1x704xf32> to vector<128x704xf32>
    %add3A_96 = arith.addf %dot_general3A_94, %add3A_95 : vector<128x704xf32>
    %get3A_97 = arith.constant 0 : index
    %get3A_98 = arith.constant 0 : index
    %get3A_99 = arith.constant 0 : index
    %get3A_100 = vector.load %arg8[%get3A_97, %get3A_98, %get3A_99] : memref<3x128x704xf32, #tpu.memory_space<vmem>>, vector<1x128x704xf32>
    %get3A_101 = vector.shape_cast %get3A_100 : vector<1x128x704xf32> to vector<128x704xf32>
    %add3A_102 = arith.addf %get3A_101, %add3A_96 : vector<128x704xf32>
    %logistic3A_103 = arith.negf %add3A_102 : vector<128x704xf32>
    %logistic3A_104 = math.exp %logistic3A_103 : vector<128x704xf32>
    %logistic3A_105 = arith.constant 1.000000e+00 : f32
    %logistic3A_106 = vector.broadcast %logistic3A_105 : f32 to vector<128x704xf32>
    %logistic3A_107 = arith.addf %logistic3A_106, %logistic3A_104 : vector<128x704xf32>
    %logistic3A_108 = arith.divf %logistic3A_106, %logistic3A_107 : vector<128x704xf32>
    %get3A_109 = arith.constant 1 : index
    %get3A_110 = arith.constant 0 : index
    %get3A_111 = arith.constant 0 : index
    %get3A_112 = vector.load %arg8[%get3A_109, %get3A_110, %get3A_111] : memref<3x128x704xf32, #tpu.memory_space<vmem>>, vector<1x128x704xf32>
    %get3A_113 = vector.shape_cast %get3A_112 : vector<1x128x704xf32> to vector<128x704xf32>
    %add3A_114 = arith.addf %get3A_113, %add3A_96 : vector<128x704xf32>
    %logistic3A_115 = arith.negf %add3A_114 : vector<128x704xf32>
    %logistic3A_116 = math.exp %logistic3A_115 : vector<128x704xf32>
    %logistic3A_117 = arith.constant 1.000000e+00 : f32
    %logistic3A_118 = vector.broadcast %logistic3A_117 : f32 to vector<128x704xf32>
    %logistic3A_119 = arith.addf %logistic3A_118, %logistic3A_116 : vector<128x704xf32>
    %logistic3A_120 = arith.divf %logistic3A_118, %logistic3A_119 : vector<128x704xf32>
    %get3A_121 = arith.constant 2 : index
    %get3A_122 = arith.constant 0 : index
    %get3A_123 = arith.constant 0 : index
    %get3A_124 = vector.load %arg8[%get3A_121, %get3A_122, %get3A_123] : memref<3x128x704xf32, #tpu.memory_space<vmem>>, vector<1x128x704xf32>
    %get3A_125 = vector.shape_cast %get3A_124 : vector<1x128x704xf32> to vector<128x704xf32>
    %mul3A_126 = arith.mulf %logistic3A_108, %add3A_96 : vector<128x704xf32>
    %add3A_127 = arith.addf %get3A_125, %mul3A_126 : vector<128x704xf32>
    %tanh3A_128 = math.tanh %add3A_127 : vector<128x704xf32>
    %sub3A_129 = arith.subf %tanh3A_128, %add3A_86 : vector<128x704xf32>
    %mul3A_130 = arith.mulf %logistic3A_120, %sub3A_129 : vector<128x704xf32>
    %add3A_131 = arith.addf %add3A_86, %mul3A_130 : vector<128x704xf32>
    %swap3A_132 = arith.constant 0 : index
    %swap3A_133 = arith.constant 2 : index
    %swap3A_134 = arith.constant 0 : index
    %swap3A_135 = vector.load %arg7[%swap3A_132, %swap3A_133, %swap3A_134] : memref<128x8x704xf32, #tpu.memory_space<vmem>>, vector<128x1x704xf32>
    %swap3A_136 = vector.shape_cast %swap3A_135 : vector<128x1x704xf32> to vector<128x704xf32>
    %swap3A_137 = vector.shape_cast %add3A_131 : vector<128x704xf32> to vector<128x1x704xf32>
    tpu.vector_store %arg7[%swap3A_132, %swap3A_133, %swap3A_134], %swap3A_137 {strides = array<i32>} : memref<128x8x704xf32, #tpu.memory_space<vmem>>, vector<128x1x704xf32>,
    %dot_general3A_138 = arith.constant dense<0.000000e+00> : vector<128x704xf32>
    %dot_general3A_139 = tpu.matmul %add3A_131, %get3A_3, %dot_general3A_138 {dimension_numbers = #tpu.dot_dimension_numbers<[1], [0], [0], [1], [0, 0, 1, 1], [], []>, transpose_lhs_hint = false} : vector<128x704xf32>, vector<704x704xf32>, vector<128x704xf32> -> vector<128x704xf32>
    %add3A_140 = vector.broadcast %get3A_6 : vector<1x704xf32> to vector<128x704xf32>
    %add3A_141 = arith.addf %dot_general3A_139, %add3A_140 : vector<128x704xf32>
    %get3A_142 = arith.constant 0 : index
    %get3A_143 = arith.constant 0 : index
    %get3A_144 = arith.constant 0 : index
    %get3A_145 = vector.load %arg8[%get3A_142, %get3A_143, %get3A_144] : memref<3x128x704xf32, #tpu.memory_space<vmem>>, vector<1x128x704xf32>
    %get3A_146 = vector.shape_cast %get3A_145 : vector<1x128x704xf32> to vector<128x704xf32>
    %add3A_147 = arith.addf %get3A_146, %add3A_141 : vector<128x704xf32>
    %logistic3A_148 = arith.negf %add3A_147 : vector<128x704xf32>
    %logistic3A_149 = math.exp %logistic3A_148 : vector<128x704xf32>
    %logistic3A_150 = arith.constant 1.000000e+00 : f32
    %logistic3A_151 = vector.broadcast %logistic3A_150 : f32 to vector<128x704xf32>
    %logistic3A_152 = arith.addf %logistic3A_151, %logistic3A_149 : vector<128x704xf32>
    %logistic3A_153 = arith.divf %logistic3A_151, %logistic3A_152 : vector<128x704xf32>
    %get3A_154 = arith.constant 1 : index
    %get3A_155 = arith.constant 0 : index
    %get3A_156 = arith.constant 0 : index
    %get3A_157 = vector.load %arg8[%get3A_154, %get3A_155, %get3A_156] : memref<3x128x704xf32, #tpu.memory_space<vmem>>, vector<1x128x704xf32>
    %get3A_158 = vector.shape_cast %get3A_157 : vector<1x128x704xf32> to vector<128x704xf32>
    %add3A_159 = arith.addf %get3A_158, %add3A_141 : vector<128x704xf32>
    %logistic3A_160 = arith.negf %add3A_159 : vector<128x704xf32>
    %logistic3A_161 = math.exp %logistic3A_160 : vector<128x704xf32>
    %logistic3A_162 = arith.constant 1.000000e+00 : f32
    %logistic3A_163 = vector.broadcast %logistic3A_162 : f32 to vector<128x704xf32>
    %logistic3A_164 = arith.addf %logistic3A_163, %logistic3A_161 : vector<128x704xf32>
    %logistic3A_165 = arith.divf %logistic3A_163, %logistic3A_164 : vector<128x704xf32>
    %get3A_166 = arith.constant 2 : index
    %get3A_167 = arith.constant 0 : index
    %get3A_168 = arith.constant 0 : index
    %get3A_169 = vector.load %arg8[%get3A_166, %get3A_167, %get3A_168] : memref<3x128x704xf32, #tpu.memory_space<vmem>>, vector<1x128x704xf32>
    %get3A_170 = vector.shape_cast %get3A_169 : vector<1x128x704xf32> to vector<128x704xf32>
    %mul3A_171 = arith.mulf %logistic3A_153, %add3A_141 : vector<128x704xf32>
    %add3A_172 = arith.addf %get3A_170, %mul3A_171 : vector<128x704xf32>
    %tanh3A_173 = math.tanh %add3A_172 : vector<128x704xf32>
    %sub3A_174 = arith.subf %tanh3A_173, %add3A_131 : vector<128x704xf32>
    %mul3A_175 = arith.mulf %logistic3A_165, %sub3A_174 : vector<128x704xf32>
    %add3A_176 = arith.addf %add3A_131, %mul3A_175 : vector<128x704xf32>
    %swap3A_177 = arith.constant 0 : index
    %swap3A_178 = arith.constant 3 : index
    %swap3A_179 = arith.constant 0 : index
    %swap3A_180 = vector.load %arg7[%swap3A_177, %swap3A_178, %swap3A_179] : memref<128x8x704xf32, #tpu.memory_space<vmem>>, vector<128x1x704xf32>
    %swap3A_181 = vector.shape_cast %swap3A_180 : vector<128x1x704xf32> to vector<128x704xf32>
    %swap3A_182 = vector.shape_cast %add3A_176 : vector<128x704xf32> to vector<128x1x704xf32>
    tpu.vector_store %arg7[%swap3A_177, %swap3A_178, %swap3A_179], %swap3A_182 {strides = array<i32>} : memref<128x8x704xf32, #tpu.memory_space<vmem>>, vector<128x1x704xf32>,
    %dot_general3A_183 = arith.constant dense<0.000000e+00> : vector<128x704xf32>
    %dot_general3A_184 = tpu.matmul %add3A_176, %get3A_3, %dot_general3A_183 {dimension_numbers = #tpu.dot_dimension_numbers<[1], [0], [0], [1], [0, 0, 1, 1], [], []>, transpose_lhs_hint = false} : vector<128x704xf32>, vector<704x704xf32>, vector<128x704xf32> -> vector<128x704xf32>
    %add3A_185 = vector.broadcast %get3A_6 : vector<1x704xf32> to vector<128x704xf32>
    %add3A_186 = arith.addf %dot_general3A_184, %add3A_185 : vector<128x704xf32>
    %get3A_187 = arith.constant 0 : index
    %get3A_188 = arith.constant 0 : index
    %get3A_189 = arith.constant 0 : index
    %get3A_190 = vector.load %arg8[%get3A_187, %get3A_188, %get3A_189] : memref<3x128x704xf32, #tpu.memory_space<vmem>>, vector<1x128x704xf32>
    %get3A_191 = vector.shape_cast %get3A_190 : vector<1x128x704xf32> to vector<128x704xf32>
    %add3A_192 = arith.addf %get3A_191, %add3A_186 : vector<128x704xf32>
    %logistic3A_193 = arith.negf %add3A_192 : vector<128x704xf32>
    %logistic3A_194 = math.exp %logistic3A_193 : vector<128x704xf32>
    %logistic3A_195 = arith.constant 1.000000e+00 : f32
    %logistic3A_196 = vector.broadcast %logistic3A_195 : f32 to vector<128x704xf32>
    %logistic3A_197 = arith.addf %logistic3A_196, %logistic3A_194 : vector<128x704xf32>
    %logistic3A_198 = arith.divf %logistic3A_196, %logistic3A_197 : vector<128x704xf32>
    %get3A_199 = arith.constant 1 : index
    %get3A_200 = arith.constant 0 : index
    %get3A_201 = arith.constant 0 : index
    %get3A_202 = vector.load %arg8[%get3A_199, %get3A_200, %get3A_201] : memref<3x128x704xf32, #tpu.memory_space<vmem>>, vector<1x128x704xf32>
    %get3A_203 = vector.shape_cast %get3A_202 : vector<1x128x704xf32> to vector<128x704xf32>
    %add3A_204 = arith.addf %get3A_203, %add3A_186 : vector<128x704xf32>
    %logistic3A_205 = arith.negf %add3A_204 : vector<128x704xf32>
    %logistic3A_206 = math.exp %logistic3A_205 : vector<128x704xf32>
    %logistic3A_207 = arith.constant 1.000000e+00 : f32
    %logistic3A_208 = vector.broadcast %logistic3A_207 : f32 to vector<128x704xf32>
    %logistic3A_209 = arith.addf %logistic3A_208, %logistic3A_206 : vector<128x704xf32>
    %logistic3A_210 = arith.divf %logistic3A_208, %logistic3A_209 : vector<128x704xf32>
    %get3A_211 = arith.constant 2 : index
    %get3A_212 = arith.constant 0 : index
    %get3A_213 = arith.constant 0 : index
    %get3A_214 = vector.load %arg8[%get3A_211, %get3A_212, %get3A_213] : memref<3x128x704xf32, #tpu.memory_space<vmem>>, vector<1x128x704xf32>
    %get3A_215 = vector.shape_cast %get3A_214 : vector<1x128x704xf32> to vector<128x704xf32>
    %mul3A_216 = arith.mulf %logistic3A_198, %add3A_186 : vector<128x704xf32>
    %add3A_217 = arith.addf %get3A_215, %mul3A_216 : vector<128x704xf32>
    %tanh3A_218 = math.tanh %add3A_217 : vector<128x704xf32>
    %sub3A_219 = arith.subf %tanh3A_218, %add3A_176 : vector<128x704xf32>
    %mul3A_220 = arith.mulf %logistic3A_210, %sub3A_219 : vector<128x704xf32>
    %add3A_221 = arith.addf %add3A_176, %mul3A_220 : vector<128x704xf32>
    %swap3A_222 = arith.constant 0 : index
    %swap3A_223 = arith.constant 4 : index
    %swap3A_224 = arith.constant 0 : index
    %swap3A_225 = vector.load %arg7[%swap3A_222, %swap3A_223, %swap3A_224] : memref<128x8x704xf32, #tpu.memory_space<vmem>>, vector<128x1x704xf32>
    %swap3A_226 = vector.shape_cast %swap3A_225 : vector<128x1x704xf32> to vector<128x704xf32>
    %swap3A_227 = vector.shape_cast %add3A_221 : vector<128x704xf32> to vector<128x1x704xf32>
    tpu.vector_store %arg7[%swap3A_222, %swap3A_223, %swap3A_224], %swap3A_227 {strides = array<i32>} : memref<128x8x704xf32, #tpu.memory_space<vmem>>, vector<128x1x704xf32>,
    %dot_general3A_228 = arith.constant dense<0.000000e+00> : vector<128x704xf32>
    %dot_general3A_229 = tpu.matmul %add3A_221, %get3A_3, %dot_general3A_228 {dimension_numbers = #tpu.dot_dimension_numbers<[1], [0], [0], [1], [0, 0, 1, 1], [], []>, transpose_lhs_hint = false} : vector<128x704xf32>, vector<704x704xf32>, vector<128x704xf32> -> vector<128x704xf32>
    %add3A_230 = vector.broadcast %get3A_6 : vector<1x704xf32> to vector<128x704xf32>
    %add3A_231 = arith.addf %dot_general3A_229, %add3A_230 : vector<128x704xf32>
    %get3A_232 = arith.constant 0 : index
    %get3A_233 = arith.constant 0 : index
    %get3A_234 = arith.constant 0 : index
    %get3A_235 = vector.load %arg8[%get3A_232, %get3A_233, %get3A_234] : memref<3x128x704xf32, #tpu.memory_space<vmem>>, vector<1x128x704xf32>
    %get3A_236 = vector.shape_cast %get3A_235 : vector<1x128x704xf32> to vector<128x704xf32>
    %add3A_237 = arith.addf %get3A_236, %add3A_231 : vector<128x704xf32>
    %logistic3A_238 = arith.negf %add3A_237 : vector<128x704xf32>
    %logistic3A_239 = math.exp %logistic3A_238 : vector<128x704xf32>
    %logistic3A_240 = arith.constant 1.000000e+00 : f32
    %logistic3A_241 = vector.broadcast %logistic3A_240 : f32 to vector<128x704xf32>
    %logistic3A_242 = arith.addf %logistic3A_241, %logistic3A_239 : vector<128x704xf32>
    %logistic3A_243 = arith.divf %logistic3A_241, %logistic3A_242 : vector<128x704xf32>
    %get3A_244 = arith.constant 1 : index
    %get3A_245 = arith.constant 0 : index
    %get3A_246 = arith.constant 0 : index
    %get3A_247 = vector.load %arg8[%get3A_244, %get3A_245, %get3A_246] : memref<3x128x704xf32, #tpu.memory_space<vmem>>, vector<1x128x704xf32>
    %get3A_248 = vector.shape_cast %get3A_247 : vector<1x128x704xf32> to vector<128x704xf32>
    %add3A_249 = arith.addf %get3A_248, %add3A_231 : vector<128x704xf32>
    %logistic3A_250 = arith.negf %add3A_249 : vector<128x704xf32>
    %logistic3A_251 = math.exp %logistic3A_250 : vector<128x704xf32>
    %logistic3A_252 = arith.constant 1.000000e+00 : f32
    %logistic3A_253 = vector.broadcast %logistic3A_252 : f32 to vector<128x704xf32>
    %logistic3A_254 = arith.addf %logistic3A_253, %logistic3A_251 : vector<128x704xf32>
    %logistic3A_255 = arith.divf %logistic3A_253, %logistic3A_254 : vector<128x704xf32>
    %get3A_256 = arith.constant 2 : index
    %get3A_257 = arith.constant 0 : index
    %get3A_258 = arith.constant 0 : index
    %get3A_259 = vector.load %arg8[%get3A_256, %get3A_257, %get3A_258] : memref<3x128x704xf32, #tpu.memory_space<vmem>>, vector<1x128x704xf32>
    %get3A_260 = vector.shape_cast %get3A_259 : vector<1x128x704xf32> to vector<128x704xf32>
    %mul3A_261 = arith.mulf %logistic3A_243, %add3A_231 : vector<128x704xf32>
    %add3A_262 = arith.addf %get3A_260, %mul3A_261 : vector<128x704xf32>
    %tanh3A_263 = math.tanh %add3A_262 : vector<128x704xf32>
    %sub3A_264 = arith.subf %tanh3A_263, %add3A_221 : vector<128x704xf32>
    %mul3A_265 = arith.mulf %logistic3A_255, %sub3A_264 : vector<128x704xf32>
    %add3A_266 = arith.addf %add3A_221, %mul3A_265 : vector<128x704xf32>
    %swap3A_267 = arith.constant 0 : index
    %swap3A_268 = arith.constant 5 : index
    %swap3A_269 = arith.constant 0 : index
    %swap3A_270 = vector.load %arg7[%swap3A_267, %swap3A_268, %swap3A_269] : memref<128x8x704xf32, #tpu.memory_space<vmem>>, vector<128x1x704xf32>
    %swap3A_271 = vector.shape_cast %swap3A_270 : vector<128x1x704xf32> to vector<128x704xf32>
    %swap3A_272 = vector.shape_cast %add3A_266 : vector<128x704xf32> to vector<128x1x704xf32>
    tpu.vector_store %arg7[%swap3A_267, %swap3A_268, %swap3A_269], %swap3A_272 {strides = array<i32>} : memref<128x8x704xf32, #tpu.memory_space<vmem>>, vector<128x1x704xf32>,
    %dot_general3A_273 = arith.constant dense<0.000000e+00> : vector<128x704xf32>
    %dot_general3A_274 = tpu.matmul %add3A_266, %get3A_3, %dot_general3A_273 {dimension_numbers = #tpu.dot_dimension_numbers<[1], [0], [0], [1], [0, 0, 1, 1], [], []>, transpose_lhs_hint = false} : vector<128x704xf32>, vector<704x704xf32>, vector<128x704xf32> -> vector<128x704xf32>
    %add3A_275 = vector.broadcast %get3A_6 : vector<1x704xf32> to vector<128x704xf32>
    %add3A_276 = arith.addf %dot_general3A_274, %add3A_275 : vector<128x704xf32>
    %get3A_277 = arith.constant 0 : index
    %get3A_278 = arith.constant 0 : index
    %get3A_279 = arith.constant 0 : index
    %get3A_280 = vector.load %arg8[%get3A_277, %get3A_278, %get3A_279] : memref<3x128x704xf32, #tpu.memory_space<vmem>>, vector<1x128x704xf32>
    %get3A_281 = vector.shape_cast %get3A_280 : vector<1x128x704xf32> to vector<128x704xf32>
    %add3A_282 = arith.addf %get3A_281, %add3A_276 : vector<128x704xf32>
    %logistic3A_283 = arith.negf %add3A_282 : vector<128x704xf32>
    %logistic3A_284 = math.exp %logistic3A_283 : vector<128x704xf32>
    %logistic3A_285 = arith.constant 1.000000e+00 : f32
    %logistic3A_286 = vector.broadcast %logistic3A_285 : f32 to vector<128x704xf32>
    %logistic3A_287 = arith.addf %logistic3A_286, %logistic3A_284 : vector<128x704xf32>
    %logistic3A_288 = arith.divf %logistic3A_286, %logistic3A_287 : vector<128x704xf32>
    %get3A_289 = arith.constant 1 : index
    %get3A_290 = arith.constant 0 : index
    %get3A_291 = arith.constant 0 : index
    %get3A_292 = vector.load %arg8[%get3A_289, %get3A_290, %get3A_291] : memref<3x128x704xf32, #tpu.memory_space<vmem>>, vector<1x128x704xf32>
    %get3A_293 = vector.shape_cast %get3A_292 : vector<1x128x704xf32> to vector<128x704xf32>
    %add3A_294 = arith.addf %get3A_293, %add3A_276 : vector<128x704xf32>
    %logistic3A_295 = arith.negf %add3A_294 : vector<128x704xf32>
    %logistic3A_296 = math.exp %logistic3A_295 : vector<128x704xf32>
    %logistic3A_297 = arith.constant 1.000000e+00 : f32
    %logistic3A_298 = vector.broadcast %logistic3A_297 : f32 to vector<128x704xf32>
    %logistic3A_299 = arith.addf %logistic3A_298, %logistic3A_296 : vector<128x704xf32>
    %logistic3A_300 = arith.divf %logistic3A_298, %logistic3A_299 : vector<128x704xf32>
    %get3A_301 = arith.constant 2 : index
    %get3A_302 = arith.constant 0 : index
    %get3A_303 = arith.constant 0 : index
    %get3A_304 = vector.load %arg8[%get3A_301, %get3A_302, %get3A_303] : memref<3x128x704xf32, #tpu.memory_space<vmem>>, vector<1x128x704xf32>
    %get3A_305 = vector.shape_cast %get3A_304 : vector<1x128x704xf32> to vector<128x704xf32>
    %mul3A_306 = arith.mulf %logistic3A_288, %add3A_276 : vector<128x704xf32>
    %add3A_307 = arith.addf %get3A_305, %mul3A_306 : vector<128x704xf32>
    %tanh3A_308 = math.tanh %add3A_307 : vector<128x704xf32>
    %sub3A_309 = arith.subf %tanh3A_308, %add3A_266 : vector<128x704xf32>
    %mul3A_310 = arith.mulf %logistic3A_300, %sub3A_309 : vector<128x704xf32>
    %add3A_311 = arith.addf %add3A_266, %mul3A_310 : vector<128x704xf32>
    %swap3A_312 = arith.constant 0 : index
    %swap3A_313 = arith.constant 6 : index
    %swap3A_314 = arith.constant 0 : index
    %swap3A_315 = vector.load %arg7[%swap3A_312, %swap3A_313, %swap3A_314] : memref<128x8x704xf32, #tpu.memory_space<vmem>>, vector<128x1x704xf32>
    %swap3A_316 = vector.shape_cast %swap3A_315 : vector<128x1x704xf32> to vector<128x704xf32>
    %swap3A_317 = vector.shape_cast %add3A_311 : vector<128x704xf32> to vector<128x1x704xf32>
    tpu.vector_store %arg7[%swap3A_312, %swap3A_313, %swap3A_314], %swap3A_317 {strides = array<i32>} : memref<128x8x704xf32, #tpu.memory_space<vmem>>, vector<128x1x704xf32>,
    %dot_general3A_318 = arith.constant dense<0.000000e+00> : vector<128x704xf32>
    %dot_general3A_319 = tpu.matmul %add3A_311, %get3A_3, %dot_general3A_318 {dimension_numbers = #tpu.dot_dimension_numbers<[1], [0], [0], [1], [0, 0, 1, 1], [], []>, transpose_lhs_hint = false} : vector<128x704xf32>, vector<704x704xf32>, vector<128x704xf32> -> vector<128x704xf32>
    %add3A_320 = vector.broadcast %get3A_6 : vector<1x704xf32> to vector<128x704xf32>
    %add3A_321 = arith.addf %dot_general3A_319, %add3A_320 : vector<128x704xf32>
    %get3A_322 = arith.constant 0 : index
    %get3A_323 = arith.constant 0 : index
    %get3A_324 = arith.constant 0 : index
    %get3A_325 = vector.load %arg8[%get3A_322, %get3A_323, %get3A_324] : memref<3x128x704xf32, #tpu.memory_space<vmem>>, vector<1x128x704xf32>
    %get3A_326 = vector.shape_cast %get3A_325 : vector<1x128x704xf32> to vector<128x704xf32>
    %add3A_327 = arith.addf %get3A_326, %add3A_321 : vector<128x704xf32>
    %logistic3A_328 = arith.negf %add3A_327 : vector<128x704xf32>
    %logistic3A_329 = math.exp %logistic3A_328 : vector<128x704xf32>
    %logistic3A_330 = arith.constant 1.000000e+00 : f32
    %logistic3A_331 = vector.broadcast %logistic3A_330 : f32 to vector<128x704xf32>
    %logistic3A_332 = arith.addf %logistic3A_331, %logistic3A_329 : vector<128x704xf32>
    %logistic3A_333 = arith.divf %logistic3A_331, %logistic3A_332 : vector<128x704xf32>
    %get3A_334 = arith.constant 1 : index
    %get3A_335 = arith.constant 0 : index
    %get3A_336 = arith.constant 0 : index
    %get3A_337 = vector.load %arg8[%get3A_334, %get3A_335, %get3A_336] : memref<3x128x704xf32, #tpu.memory_space<vmem>>, vector<1x128x704xf32>
    %get3A_338 = vector.shape_cast %get3A_337 : vector<1x128x704xf32> to vector<128x704xf32>
    %add3A_339 = arith.addf %get3A_338, %add3A_321 : vector<128x704xf32>
    %logistic3A_340 = arith.negf %add3A_339 : vector<128x704xf32>
    %logistic3A_341 = math.exp %logistic3A_340 : vector<128x704xf32>
    %logistic3A_342 = arith.constant 1.000000e+00 : f32
    %logistic3A_343 = vector.broadcast %logistic3A_342 : f32 to vector<128x704xf32>
    %logistic3A_344 = arith.addf %logistic3A_343, %logistic3A_341 : vector<128x704xf32>
    %logistic3A_345 = arith.divf %logistic3A_343, %logistic3A_344 : vector<128x704xf32>
    %get3A_346 = arith.constant 2 : index
    %get3A_347 = arith.constant 0 : index
    %get3A_348 = arith.constant 0 : index
    %get3A_349 = vector.load %arg8[%get3A_346, %get3A_347, %get3A_348] : memref<3x128x704xf32, #tpu.memory_space<vmem>>, vector<1x128x704xf32>
    %get3A_350 = vector.shape_cast %get3A_349 : vector<1x128x704xf32> to vector<128x704xf32>
    %mul3A_351 = arith.mulf %logistic3A_333, %add3A_321 : vector<128x704xf32>
    %add3A_352 = arith.addf %get3A_350, %mul3A_351 : vector<128x704xf32>
    %tanh3A_353 = math.tanh %add3A_352 : vector<128x704xf32>
    %sub3A_354 = arith.subf %tanh3A_353, %add3A_311 : vector<128x704xf32>
    %mul3A_355 = arith.mulf %logistic3A_345, %sub3A_354 : vector<128x704xf32>
    %add3A_356 = arith.addf %add3A_311, %mul3A_355 : vector<128x704xf32>
    %swap3A_357 = arith.constant 0 : index
    %swap3A_358 = arith.constant 7 : index
    %swap3A_359 = arith.constant 0 : index
    %swap3A_360 = vector.load %arg7[%swap3A_357, %swap3A_358, %swap3A_359] : memref<128x8x704xf32, #tpu.memory_space<vmem>>, vector<128x1x704xf32>
    %swap3A_361 = vector.shape_cast %swap3A_360 : vector<128x1x704xf32> to vector<128x704xf32>
    %swap3A_362 = vector.shape_cast %add3A_356 : vector<128x704xf32> to vector<128x1x704xf32>
    tpu.vector_store %arg7[%swap3A_357, %swap3A_358, %swap3A_359], %swap3A_362 {strides = array<i32>} : memref<128x8x704xf32, #tpu.memory_space<vmem>>, vector<128x1x704xf32>,
    %swap3A_363 = arith.constant 0 : index
    %swap3A_364 = arith.constant 0 : index
    %swap3A_365 = vector.load %arg9[%swap3A_363, %swap3A_364] : memref<128x704xf32, #tpu.memory_space<vmem>>, vector<128x704xf32>
    tpu.vector_store %arg9[%swap3A_363, %swap3A_364], %add3A_356 {strides = array<i32>} : memref<128x704xf32, #tpu.memory_space<vmem>>, vector<128x704xf32>,
    return
  }
  func.func @transform_0(%arg0: i32, %arg1: i32) -> (i32, i32) {
    %c0_i32 = arith.constant 0 : i32
    %c0_i32_0 = arith.constant 0 : i32
    return %arg0, %c0_i32 : i32, i32
  }
  func.func @transform_1(%arg0: i32, %arg1: i32) -> (i32, i32, i32) {
    %c0_i32 = arith.constant 0 : i32
    %c0_i32_0 = arith.constant 0 : i32
    %c0_i32_1 = arith.constant 0 : i32
    %c0_i32_2 = arith.constant 0 : i32
    return %c0_i32, %c0_i32_0, %c0_i32_1 : i32, i32, i32
  }
  func.func @transform_2(%arg0: i32, %arg1: i32) -> (i32, i32, i32) {
    %c0_i32 = arith.constant 0 : i32
    %c0_i32_0 = arith.constant 0 : i32
    %c0_i32_1 = arith.constant 0 : i32
    %c0_i32_2 = arith.constant 0 : i32
    return %c0_i32, %c0_i32_0, %c0_i32_1 : i32, i32, i32
  }
  func.func @transform_3(%arg0: i32, %arg1: i32) -> (i32, i32) {
    %c0_i32 = arith.constant 0 : i32
    %c0_i32_0 = arith.constant 0 : i32
    %c0_i32_1 = arith.constant 0 : i32
    return %c0_i32, %c0_i32_0 : i32, i32
  }
  func.func @transform_4(%arg0: i32, %arg1: i32) -> (i32, i32) {
    %c0_i32 = arith.constant 0 : i32
    %c0_i32_0 = arith.constant 0 : i32
    %c0_i32_1 = arith.constant 0 : i32
    return %c0_i32, %c0_i32_0 : i32, i32
  }
  func.func @transform_5(%arg0: i32, %arg1: i32) -> (i32, i32, i32) {
    %c0_i32 = arith.constant 0 : i32
    %c0_i32_0 = arith.constant 0 : i32
    return %arg0, %arg1, %c0_i32 : i32, i32, i32
  }
}

</mosaic_0001>

<sc_bundles>
// kernel: sparse-core-data-format-call.cloned.1.call-start
scs
called_computation_lowered:
.L_overlay_start_0:
0x0: {  	s2 =	sld [smem:$0x3FD9]  }
0x1: {  	s3 =	sld [smem:$0x3FFE];
	_ =	sdelay $0x1  }
0x2: {  	s1 =	srdreg.scid  }
0x3: {  	s0 =	sand.u32 $0x1, s1  }
0x4: {  	s18 =	sshll.u32 s0, $0xA;
	s2 =	sadd.s32 s3, s2  }
0x5: {  	s2 =	sadd.s32 s2, s18  }
0x6: {  	[smem:$0x3FBF] =	sst s2  }
0x7: {  	_ = 	snop  }
0x8: {  	s2 =	sld [smem:$0x3FD0];
	(tm) =	ssettm $0x1  }
0x9: {  	s19 =	sld [smem:$0x3FFB];
	_ =	sdelay $0x3  }
0xa: {  	_ =	strace s19  }
0xb: {  	s3 =	sld [smem:$0x3FFC];
	_ =	sdelay $0x3  }
0xc: {  	_ =	strace s3  }
0xd: {  	s3 =	sld [smem:$0x3FFD];
	_ =	sdelay $0x3  }
0xe: {  	_ =	strace s3  }
0xf: {  	_ =	strace $0x8FFFFFFF  }
0x10: {  	s20 =	sld [smem:$0x3FDB];
	_ =	sdelay $0x1  }
0x11: {  	s4 =	simm.s32 $_scs_section_size  }
0x12: {  	s5 =	simm.s32 $_size__tile_overlayer_lowered;
	s6 =	simm.s32 $_tile_overlayer_lowered  }
0x13: {  	s23 =	simm.s32 $0x1BFF;
	s22 =	sshll.u32 s6, $0x1;
	s3 =	sadd.s32 s4, s20  }
0x14: {  	s7 =	simm.s32 $0x0;
	s21 =	sshll.u32 s5, $0x1;
	s5 =	sadd.s32 s22, s3  }
0x15: {  	[timem:s7], [sflag:s23] =	dma.local [hbm:s5], s21  }
0x16: {  	_ =	swait.ge [sflag:s23], s21  }
0x17: {  	s4 =	ssub.s32 $0x0, s21;
	[sflag:s23] =	ssyncset.done $0x0  }
0x18: {  	[sflag:s23] =	ssyncadd.s32 s4;
	_ =	sdelay $0x1  }
0x19: {  	s24 =	simm.s32 $0x1B8B  }
0x1a: {  	_ =	swait.ge [sflag:s24], $0x1  }
0x1b: {  	[sflag:s24] =	ssyncset.done $0x0  }
0x1c: {  	s26 =	simm.s32 $0x1B8E;
	s25 =	sld [smem:$0x3FFE];
	[sflag:s24] =	ssyncadd.s32 $0xFFFFFFFF  }
0x1d: {  	s27 =	simm.s32 $execute0_lowered;
	[smem:$0x3FD2] =	sst s26  }
0x1e: {  	s5 =	sshll.u32 s27, $0x1;
	_ =	strace $0x80000046;
	[dreg:$0x1] =	wrdreg $0xFFFFFFFF  }
0x1f: {  	s28 =	simm.s32 $_size_execute0_lowered;
	s3 =	sadd.s32 s3, s5;
	[dreg:$0x0] =	wrdreg $0x0  }
0x20: {  	s5 =	sshll.u32 s28, $0x1;
	[dreg:$0x2] =	wrdreg s3  }
0x21: {  	[dreg:$0x3] =	wrdreg s5  }
0x22: {  	[dreg:$0x4] =	wrdreg $0xC0  }
0x23: {  	_ =	task [dreg:s7], $0x5FFFF  }
0x24: {  	[dreg:$0x1] =	wrdreg $0xFFFFFFFF  }
0x25: {  	[dreg:$0x0] =	wrdreg $0x60  }
0x26: {  	[dreg:$0x2] =	wrdreg s25  }
0x27: {  	[dreg:$0x3] =	wrdreg s2  }
0x28: {  	[dreg:$0x4] =	wrdreg $0x9  }
0x29: {  	_ =	task.clear_ibuf [dreg:s7], $0x5FFFF;
	_ =	strace $0x90000046  }
0x2a: {  	s29 =	simm.s32 $0x9;
	_ =	strace $0x80000048  }
0x2b: {  	_ =	swait.ge [sflag:s29], $0x1  }
0x2c: {  	[sflag:s29] =	ssyncadd.s32 $0xFFFFFFFF  }
0x2d: {  	_ =	strace $0x90000048  }
0x2e: {  	_ =	sfence  }
0x2f: {  	s30 =	sld [smem:$0x0];
	_ =	sdelay $0x2  }
0x30: {  	s31 =	sshll.u32 s1, $0xD;
	s1 =	sshrl.u32 s1, $0x2  }
0x31: {  	s3 =	sand.u32 $0x4000, s31;
	s1 =	sadd.s32 s1, s30  }
0x32: {  	s0 =	sor.u32 s3, s0;
	s1 =	sshll.u32 s1, $0x11  }
0x33: {  	s0 =	sor.u32 s1, s0  }
0x34: {  	s0 =	sadd.s32 $0x8F2B, s0  }
0x35: {  	[sflag:s0] =	ssyncadd.remote.s32 $0x1  }
0x36: {  	_ =	sfence.sel $0xFFFF  }
0x37: {  	[dreg:$0x0] =	wrdreg $0xFFFFFFFF;
	(pc) =	sbr.abs _section_cstart, $3  }
0x38: {  	[dreg:$0x1] =	wrdreg $0xFFFFFFFF  }
0x39: {  	_ =	task.clear_ibuf [dreg:s7], $0x2FFFF;
	_ =	strace $0x9FFFFFFF  }
0x3a: {  	(tm) =	ssettm $0x7FFFFFFF  }
0x3b: {  	_ =	shalt  }
tec
execute0_lowered:
.L_overlay_start_1:
0x0: {  	(tag) =	ssettag $0x1  }
0x1: {  	s7 =	rddreg [dreg:$0x0]  }
0x2: {  	s0 =	srdreg.scid;
	s2 =	rddreg [dreg:$0x1];
	s5 =	simm.s32 $0x1  }
0x3: {  	s31 =	simm.s32 $0x2;
	s14 =	simm.s32 $0x0;
	s1 =	sshll.u32 s0, $0x4  }
0x4: {  	s13 =	simm.s32 $0x0;
	s0 =	stileid.u32;
	s1 =	sand.u32 $0x10, s1  }
0x5: {  	s12 =	simm.s32 $0x0;
	s3 =	sshll.u32 s0, $0x7;
	s8 =	sor.u32 s0, s1  }
0x6: {  	s7 =	sadd.s32 $0x180600, s7;
	s3 =	sand.u32 $0x380, s3;
	s4 =	sshll.u32 s8, $0x4  }
0x7: {  	s1 =	rddreg [dreg:$0x2];
	s6 =	ssub.s32 $0x5800, s3;
	s4 =	sand.u32 $0x180, s4  }
0x8: {  	s9 =	sand.u32 $0x380, s6;
	s6 =	sshrl.u32 s6, $0xA;
	s10 =	ssub.s32 $0x200, s4  }
0x9: {  	p0 =	sne.s32 s9, $0x0;
	s9 =	simm.s32 $0x1;
	s11 =	sand.u32 $0x180, s10  }
0xa: {  	s9 =	simm.s32 @!p0 $0x0;
	p0 =	sne.s32 s11, $0x0;
	s11 =	simm.s32 $0x1  }
.Ltmp0:
0xb: {  	s10 =	sshrl.u32 s10, $0x9;
	s11 =	simm.s32 @!p0 $0x0;
	(pc) =	sbr.rel .LBB1_1-.Ltmp0, $4  }
0xc: {  	_ =	strace $0x80000047;
	s6 =	sadd.s32 s9, s6;
	s30 =	sadd.s32 s11, s10  }
0xd: {  	[sflag:s5] =	ssyncpa.u1 $0x0;
	s8 =	sshll.u32 s8, $0x7;
	s6 =	smul.u32 s6, s30  }
0xe: {  	[sflag:s31] =	ssyncpa.u1 $0x0;
	s8 =	sand.u32 $0xC00, s8;
	p0 =	por $0x0, $0x0  }
0xf: {  	s10 =	simm.s32 $0x2C000;
	s11 =	smov.u32 s3;
	s9 =	sadd.s32 $0x1, s6  }
.LBB1_4:
0x10: {  	s14 =	sshrl.u32 s14, $0x3  }
0x11: {  	s20 =	sshll.u32 s13, $0x3;
	s14 =	smul.u32 $0x2C000, s14  }
0x12: {  	v5 =	vld [tilespmem:s18+$0xFFFFFFD0];
	[tilespmem:s17+$0x2040 ss:$0x81] =	vst.msk $0xffff, v4;
	s20 =	sand.u32 $0xFFFFFC00, s20  }
0x13: {  	v58 =	vld [tilespmem:s18+$0xFFFFFFE0];
	[tilespmem:s17+$0x2850 ss:$0x81] =	vst.msk $0xffff, v3;
	s30 =	sand.u32 $0x7F, s13;
	s14 =	sadd.s32 s20, s14  }
0x14: {  	s19 =	sshra.s32 s19, $0x2;
	v59 =	vld [tilespmem:s18+$0xFFFFFFF0];
	[tilespmem:s17+$0x3060 ss:$0x81] =	vst.msk $0xffff, v2;
	s13 =	sor.u32 s30, s14  }
0x15: {  	v60 =	vld [tilespmem:s18+$0x0];
	[tilespmem:s17+$0x0 ss:$0x81] =	vst.msk $0xffff, v0;
	s16 =	sadd.s32 s19, s16;
	s31 =	smulhi.u32 $0xBA2E8BA3, s13  }
0x16: {  	v61 =	vld [tilespmem:s18+$0x10];
	[tilespmem:s16+$0x3870 ss:$0x81] =	vst.msk $0xffff, v1  }
0x17: {  	v62 =	vld [tilespmem:s18+$0x20];
	s14 =	smulhi.u32 $0xBA2E8BA3, s14;
	[tilespmem:s16+$0x810 ss:$0x81] =	vst.msk $0xffff, v5;
	s17 =	sshrl.u32 s31, $0xE  }
0x18: {  	v63 =	vld [tilespmem:s18+$0xFFFFFFC0];
	[tilespmem:s16+$0x1020 ss:$0x81] =	vst.msk $0xffff, v58;
	s17 =	smul.u32 $0x5800, s17  }
0x19: {  	[tilespmem:s16+$0x1830 ss:$0x81] =	vst.msk $0xffff, v59;
	s14 =	sshrl.u32 s14, $0xE  }
0x1a: {  	[tilespmem:s16+$0x2040 ss:$0x81] =	vst.msk $0xffff, v60;
	s14 =	sand.u32 $0x1FF, s14;
	s13 =	ssub.s32 s13, s17  }
0x1b: {  	[tilespmem:s16+$0x2850 ss:$0x81] =	vst.msk $0xffff, v61;
	s14 =	smul.u32 $0xB00, s14;
	s17 =	sshrl.u32 s13, $0x3;
	s13 =	sand.u32 $0x7, s13  }
0x1c: {  	[tilespmem:s16+$0x3060 ss:$0x81] =	vst.msk $0xffff, v62;
	s17 =	sadd.s32 s2, s17;
	s13 =	sshll.u32 s13, $0x12  }
0x1d: {  	[tilespmem:s16+$0x0 ss:$0x81] =	vst.msk $0xffff, v63;
	s14 =	sadd.s32 s14, s17;
	s13 =	sor.u32 $0x400, s13  }
0x1e: {  	[hbm4b:s14+s13] =	stream.strided.scatter [tilespmem:s15], [sflag:$0x2], $0x4000, s10, s13, $0x20;
	[tilespmem:$0x10100] =	vst v63  }
.LBB1_5:
0x1f: {  	s15 =	sadd.s32 $0x400, s11  }
0x20: {  	p2 =	sgt.s32 s15, $0x57FF  }
0x21: {  	s15 =	smov.u32 @p2 s3;
	p2 =	sne.s32 s12, s9  }
.Ltmp1:
0x22: {  	p1 =	slt.u32 s12, $0x2;
	(pc) =	sbr.rel @!p2 .LBB1_6-.Ltmp1, $4  }
0x23: {  	s14 =	simm.s32 @!p1 $0x2  }
0x24: {  	s16 =	sadd.s32 $0x1, s12;
	s13 =	smov.u32 s11;
	_ =	swait.ge @!p1 [sflag:s14], $0x4000  }
0x25: {  	p0 =	por !p0, !p0;
	s12 =	smov.u32 s16;
	[sflag:s14] =	ssyncset.done @!p1 $0x0  }
0x26: {  	s11 =	smov.u32 s15;
	[sflag:s14] =	ssyncadd.s32 @!p1 $0xFFFFC000;
	s14 =	smov.u32 s4  }
.LBB1_1:
0x27: {  	p1 =	sge.u32 s12, s6  }
0x28: {  	s15 =	sshll.u32 @!p1 s11, $0x9  }
0x29: {  	s16 =	sshll.u32 @!p1 s11, $0x7;
	s15 =	sand.u32 @!p1 $0xFFFFF000, s15  }
0x2a: {  	s16 =	sand.u32 @!p1 $0x200, s16;
	s15 =	sor.u32 @!p1 s8, s15  }
0x2b: {  	s15 =	sor.u32 @!p1 s16, s15  }
0x2c: {  	s15 =	sshrl.u32 @!p1 s15, $0x9  }
0x2d: {  	s16 =	smulhi.u32 @!p1 $0x2E8BA3, s15;
	_ =	sdelay $0x1  }
0x2e: {  	s16 =	sshrl.u32 @!p1 s16, $0x4  }
0x2f: {  	s16 =	smul.u32 @!p1 $0x5800, s16  }
0x30: {  	s31 =	sadd.s32 $0xFFFFFFFF, s12;
	s17 =	sxor.u32 @!p1 $0xFFFFFFFF, s12;
	s18 =	sshll.u32 @!p1 s11, $0x4  }
0x31: {  	s17 =	sshll.u32 @!p1 s17, $0xE;
	s15 =	ssub.s32 @!p1 s15, s16;
	s16 =	sand.u32 @!p1 $0x30, s18  }
0x32: {  	s17 =	sand.u32 @!p1 $0x4000, s17;
	s15 =	sshll.u32 @!p1 s15, $0x6;
	s16 =	sadd.s32 @!p1 s7, s16  }
0x33: {  	s18 =	simm.s32 @!p1 $0x1000;
	s15 =	sadd.s32 @!p1 s15, s16;
	s16 =	simm.s32 @!p1 $0x400  }
0x34: {  	[tilespmem:s17], [sflag:$0x1] =	stream.strided.gather @!p1 [hbm4b:s15+s16], $0x4000, s18, s16, $0x38;
	[tilespmem:$0x10100] =	vst v63  }
0x35: {  	p1 =	sge.u32 s31, s6  }
.Ltmp2:
0x36: {  	_ = 	snop;
	(pc) =	sbr.rel @p1 .LBB1_5-.Ltmp2, $1  }
0x37: {  	_ =	sdelay $0x3  }
0x38: {  	s15 =	simm.s32 $0x1  }
0x39: {  	_ =	swait.ge [sflag:s5], $0x4000;
	s15 =	simm.s32 @!p0 $0x0  }
0x3a: {  	[sflag:s5] =	ssyncset.done $0x0;
	s16 =	sshll.u32 s15, $0xE  }
0x3b: {  	[sflag:s5] =	ssyncadd.s32 $0xFFFFC000;
	s18 =	sor.u32 $0x40, s16  }
0x3c: {  	s15 =	smul.u32 $0x10200, s15;
	v0 =	vld [tilespmem:s18+$0x30]  }
0x3d: {  	v1 =	vld [tilespmem:s18+$0xFFFFFFD0]  }
0x3e: {  	s15 =	sshrl.u32 s15, $0x2;
	v5 =	vld [tilespmem:s18+$0xFFFFFFE0]  }
0x3f: {  	v6 =	vld [tilespmem:s18+$0xFFFFFFF0];
	s16 =	sor.u32 $0x8000, s15  }
0x40: {  	s31 =	sand.u32 $0x1, s12;
	v4 =	vld [tilespmem:s18+$0x0];
	s17 =	sadd.s32 $0x0, s16  }
0x41: {  	v3 =	vld [tilespmem:s18+$0x10];
	s15 =	smul.u32 $0x10200, s31;
	[tilespmem:s17+$0x3870 ss:$0x81] =	vst.msk $0xffff, v0  }
0x42: {  	v2 =	vld [tilespmem:s18+$0x20];
	[tilespmem:s17+$0x810 ss:$0x81] =	vst.msk $0xffff, v1  }
0x43: {  	s15 =	sshrl.u32 s15, $0x2;
	v0 =	vld [tilespmem:s18+$0xFFFFFFC0];
	[tilespmem:s17+$0x1020 ss:$0x81] =	vst.msk $0xffff, v5;
	s18 =	sadd.s32 $0x80, s18  }
0x44: {  	s19 =	simm.s32 $0x4;
	s20 =	simm.s32 $0x8;
	s15 =	sor.u32 $0x8000, s15;
	[tilespmem:s17+$0x1830 ss:$0x81] =	vst.msk $0xffff, v6;
	v1 =	vld [tilespmem:s18+$0x30]  }
.LBB1_3:
0x45: {  	p1 =	sne.s32 s20, $0x1FC;
	v5 =	vld [tilespmem:s18+$0xFFFFFFD0];
	[tilespmem:s17+$0x2040 ss:$0x81] =	vst.msk $0xffff, v4  }
0x46: {  	v6 =	vld [tilespmem:s18+$0xFFFFFFE0];
	[tilespmem:s17+$0x2850 ss:$0x81] =	vst.msk $0xffff, v3  }
0x47: {  	s21 =	sshra.s32 s19, $0x2;
	s19 =	smov.u32 s20;
	v7 =	vld [tilespmem:s18+$0xFFFFFFF0];
	[tilespmem:s17+$0x3060 ss:$0x81] =	vst.msk $0xffff, v2  }
.Ltmp3:
0x48: {  	v4 =	vld [tilespmem:s18+$0x0];
	[tilespmem:s17+$0x0 ss:$0x81] =	vst.msk $0xffff, v0;
	s17 =	sadd.s32 s21, s16;
	(pc) =	sbr.rel @p1 .LBB1_3-.Ltmp3, $4  }
0x49: {  	v3 =	vld [tilespmem:s18+$0x10];
	[tilespmem:s17+$0x3870 ss:$0x81] =	vst.msk $0xffff, v1  }
0x4a: {  	[tilespmem:s17+$0x810 ss:$0x81] =	vst.msk $0xffff, v5;
	v2 =	vld [tilespmem:s18+$0x20]  }
0x4b: {  	v0 =	vld [tilespmem:s18+$0xFFFFFFC0];
	[tilespmem:s17+$0x1020 ss:$0x81] =	vst.msk $0xffff, v6;
	s18 =	sadd.s32 $0x80, s18  }
0x4c: {  	s20 =	sadd.s32 $0x4, s20;
	v1 =	vld [tilespmem:s18+$0x30];
	[tilespmem:s17+$0x1830 ss:$0x81] =	vst.msk $0xffff, v7  }
.Ltmp4:
0x4d: {  	_ = 	snop;
	(pc) =	sbr.rel .LBB1_4-.Ltmp4, $1  }
0x4e: {  	_ =	sdelay $0x3  }
.LBB1_6:
0x4f: {  	_ =	sfence.sel $0x180000  }
0x50: {  	s2 =	simm.s32 $0x1;
	[bflag:$0x0] =	sbarrier.arrive $0xFFFF  }
0x51: {  	s31 =	simm.s32 $0x2;
	[sflag:s2] =	ssyncpa.u1 $0x1  }
0x52: {  	[sflag:s31] =	ssyncpa.u1 $0x1  }
0x53: {  	p0 =	sne.s32 s0, $0x0;
	_ =	strace $0x90000047  }
0x54: {  	s0 =	sadd.s32 @!p0 $0x100000, s1;
	[bflag:$0x2] =	sbarrier.arrive $0xFFFF  }
0x55: {  	[sflag:s0] =	ssyncadd.tile.s32 @!p0 $0x1;
	_ =	shalt  }
.Lfunc_end1:
_tile_overlayer_lowered:
.L_overlay_start_2:
0x56: {  	(tag) =	ssettag $0x2  }
0x57: {  	s0 =	rddreg [dreg:$0x0];
	s2 =	stileid.u32  }
0x58: {  	s1 =	rddreg [dreg:$0x1];
	p0 =	sne.s32 s2, $0x0  }
0x59: {  	s3 =	rddreg [dreg:$0x2];
	[bflag:$0x3] =	sbarrier.arrive $0xFFFF;
	s2 =	simm.s32 @!p0 $0x1C01  }
0x5a: {  	[timem:s3], [sflag:s2] =	dma.local @!p0 [hbm:s0], s1  }
0x5b: {  	s0 =	simm.s32 @!p0 $0x1  }
0x5c: {  	_ =	swait.ge @!p0 [sflag:s0], s1  }
0x5d: {  	s1 =	ssub.s32 @!p0 $0x0, s1;
	[sflag:s0] =	ssyncset.done @!p0 $0x0  }
0x5e: {  	[sflag:s0] =	ssyncadd.s32 @!p0 s1  }
0x5f: {  	[bflag:$0x3] =	sbarrier.arrive $0xFFFF  }
0x60: {  	_ =	shalt  }

</sc_bundles>
